<compile_context>
chip_gen: v7x
topology: tpu7x:2x2x1
jax: 0.10.2.dev20260603
libtpu: 0.0.44.dev20260713+nightly
codegen_flags: <defaults>
</compile_context>

<pallas_src>
import jax
import jax.numpy as jnp
from jax.experimental import pallas as pl
from jax.experimental.pallas import tpu as pltpu


def _fused_kernel(x_ref, hg_ref, w1_ref, b1_ref, w2_ref, b2_ref, out_ref,
                  acc_ref, de_ref, y_ref):
    s = pl.program_id(0)
    n = pl.program_id(1)
    nsteps = pl.num_programs(1)

    @pl.when(s == 0)
    def _v2e():
        h = hg_ref[...]
        x1 = jnp.dot(x_ref[...], w1_ref[...],
                     preferred_element_type=jnp.float32) + b1_ref[...]
        part = jax.lax.dot_general(
            h, x1.astype(jnp.bfloat16),
            (((0,), (0,)), ((), ())),
            preferred_element_type=jnp.float32)
        de_part = jnp.sum(h, axis=0, keepdims=True,
                          dtype=jnp.float32)

        @pl.when(n == 0)
        def _init():
            acc_ref[...] = part
            de_ref[...] = de_part

        @pl.when(n > 0)
        def _acc():
            acc_ref[...] += part
            de_ref[...] += de_part

        @pl.when(n == nsteps - 1)
        def _finish():
            de = de_ref[...]
            scale = jnp.transpose(
                jnp.where(de > 0.0, 1.0 / de, 0.0))
            y = jnp.maximum(acc_ref[...] * scale, 0.0)
            y2 = jnp.dot(y.astype(jnp.bfloat16),
                         w2_ref[...].astype(jnp.bfloat16),
                         preferred_element_type=jnp.float32) + b2_ref[...]
            y_ref[...] = y2.astype(jnp.bfloat16)

    @pl.when(s == 1)
    def _e2v():
        h = hg_ref[...]
        xv = jnp.dot(h, y_ref[...],
                     preferred_element_type=jnp.float32)
        dv = jnp.sum(h, axis=1, keepdims=True, dtype=jnp.float32)
        scale = jnp.where(dv > 0.0, 1.0 / dv, 0.0)
        out_ref[...] = jnp.maximum(xv * scale, 0.0)


@jax.jit
def kernel(X, hg, W_v2e, b_v2e, W_e2v, b_e2v):
    N, C = X.shape
    M = hg.shape[1]
    lanes = 128
    Mp = ((M + lanes - 1) // lanes) * lanes
    blk = 1000
    assert N % blk == 0

    hgp = jnp.pad(hg.astype(jnp.bfloat16), ((0, 0), (0, Mp - M)))

    b1 = b_v2e.reshape(1, C)
    b2 = b_e2v.reshape(1, C)

    xv = pl.pallas_call(
        _fused_kernel,
        grid=(2, N // blk),
        in_specs=[
            pl.BlockSpec((blk, C), lambda s, n: (n, 0)),
            pl.BlockSpec((blk, Mp), lambda s, n: (n, 0)),
            pl.BlockSpec((C, C), lambda s, n: (0, 0)),
            pl.BlockSpec((1, C), lambda s, n: (0, 0)),
            pl.BlockSpec((C, C), lambda s, n: (0, 0)),
            pl.BlockSpec((1, C), lambda s, n: (0, 0)),
        ],
        out_specs=pl.BlockSpec((blk, C), lambda s, n: (n, 0)),
        out_shape=jax.ShapeDtypeStruct((N, C), jnp.float32),
        scratch_shapes=[
            pltpu.VMEM((Mp, C), jnp.float32),
            pltpu.VMEM((1, Mp), jnp.float32),
            pltpu.VMEM((Mp, C), jnp.bfloat16),
        ],
        compiler_params=pltpu.CompilerParams(
            dimension_semantics=("arbitrary", "arbitrary"),
            fuse_transposed_lhs_in_matmul=True),
    )(X, hgp, W_v2e, b1, W_e2v, b2)

    return xv

# --- scband reference (transcript-rebuilt; emitter-appended) ---
"""Pipeline reference for scband-hnhnconv2-18348100288552 (READ-ONLY COPY).

The authoritative reference and input builder live on the scoring server;
editing this copy changes nothing except your own understanding.
"""

import jax, jax.numpy as jnp
import numpy as np

N, M, C = 10000, 5000, 128

def setup_inputs(seed: int = 0) -> dict:
    key = jax.random.key(seed)
    k1, k2, k3, k4 = jax.random.split(key, 4)
    X = jax.random.normal(k1, (N, C), dtype=jnp.float32)
    # dense (weighted) hypergraph incidence matrix; strictly positive entries so row/col sums are nonzero
    hg = jax.random.uniform(k2, (N, M), dtype=jnp.float32)
    # theta_v2e: Linear(C_in=128 -> C_out=128); torch stores weight as [out, in], y = x @ W.T + b.
    # We store the already-transposed matrix [in, out] for jax.
    W_v2e = jax.random.normal(k3, (C, C), dtype=jnp.float32) * (1.0 / np.sqrt(C))
    b_v2e = jnp.zeros((C,), dtype=jnp.float32)
    W_e2v = jax.random.normal(k4, (C, C), dtype=jnp.float32) * (1.0 / np.sqrt(C))
    b_e2v = jnp.zeros((C,), dtype=jnp.float32)
    return {"X": X, "hg": hg, "W_v2e": W_v2e, "b_v2e": b_v2e, "W_e2v": W_e2v, "b_e2v": b_e2v}

def reference(X, hg, W_v2e, b_v2e, W_e2v, b_e2v):
    # X = self.theta_v2e(X)
    X1 = X @ W_v2e + b_v2e
    # v2e, aggr='mean': X = D_e^{-1} (H^T X)
    H_T = hg.T
    D_e_neg_1 = jnp.power(H_T.sum(axis=1), -1.0)
    Y = H_T @ X1
    Y = D_e_neg_1[:, None] * Y  # equivalent to diag(D_e^{-1}) @ Y
    # Y = self.act(...)
    Y = jax.nn.relu(Y)
    # Y = self.theta_e2v(Y)
    Y = Y @ W_e2v + b_e2v
    # e2v, aggr='mean': X = D_v^{-1} (H Y), with inf -> 0
    Xv = hg @ Y
    D_v_neg_1 = jnp.power(hg.sum(axis=1), -1.0)
    D_v_neg_1 = jnp.where(jnp.isinf(D_v_neg_1), 0.0, D_v_neg_1)
    Xv = D_v_neg_1[:, None] * Xv
    # not is_last: act; bn is None; dropout(p=0.0) is identity
    Xv = jax.nn.relu(Xv)
    return Xv

if __name__ == "__main__":
    import jax
    _d = setup_inputs()
    print(jax.jit(kernel)(*tuple(_d.values())))

</pallas_src>

<mosaic_0001>
module attributes {stable_mosaic.version = 14 : i64} {
  func.func @_fused_kernel(%arg0: i32, %arg1: i32, %arg2: memref<1000x128xf32, #tpu.memory_space<vmem>>, %arg3: memref<1000x5120xbf16, #tpu.memory_space<vmem>>, %arg4: memref<128x128xf32, #tpu.memory_space<vmem>>, %arg5: memref<1x128xf32, #tpu.memory_space<vmem>>, %arg6: memref<128x128xf32, #tpu.memory_space<vmem>>, %arg7: memref<1x128xf32, #tpu.memory_space<vmem>>, %arg8: memref<1000x128xf32, #tpu.memory_space<vmem>>, %arg9: memref<5120x128xf32, #tpu.memory_space<vmem>>, %arg10: memref<1x5120xf32, #tpu.memory_space<vmem>>, %arg11: memref<5120x128xbf16, #tpu.memory_space<vmem>>) attributes {dimension_semantics = [#tpu.dimension_semantics<arbitrary>, #tpu.dimension_semantics<arbitrary>], iteration_bounds = array<i64: 2, 10>, scalar_prefetch = 0 : i64, scratch_operands = 3 : i64, tpu.core_type = #tpu.core_type<tc>, window_params = [{transform_indices = @transform_0, window_bounds = array<i64: 1000, 128>}, {transform_indices = @transform_1, window_bounds = array<i64: 1000, 5120>}, {pipeline_mode = #tpu.pipeline_mode<synchronous>, transform_indices = @transform_2, window_bounds = array<i64: 128, 128>}, {pipeline_mode = #tpu.pipeline_mode<synchronous>, transform_indices = @transform_3, window_bounds = array<i64: 1, 128>}, {pipeline_mode = #tpu.pipeline_mode<synchronous>, transform_indices = @transform_4, window_bounds = array<i64: 128, 128>}, {pipeline_mode = #tpu.pipeline_mode<synchronous>, transform_indices = @transform_5, window_bounds = array<i64: 1, 128>}, {transform_indices = @transform_6, window_bounds = array<i64: 1000, 128>}]} {
    %eq3A = arith.constant 0 : i32
    %eq3A_0 = arith.cmpi eq, %arg0, %eq3A : i32
    %convert_element_type3A = arith.extui %eq3A_0 : i1 to i32
    %cond3A = arith.constant 0 : i32
    %cond3A_1 = arith.cmpi ne, %convert_element_type3A, %cond3A : i32
    scf.if %cond3A_1 {
      %get3A = arith.constant 0 : index
      %get3A_7 = arith.constant 0 : index
      %get3A_8 = vector.load %arg3[%get3A, %get3A_7] : memref<1000x5120xbf16, #tpu.memory_space<vmem>>, vector<1000x5120xbf16>
      %get3A_9 = arith.constant 0 : index
      %get3A_10 = arith.constant 0 : index
      %get3A_11 = vector.load %arg2[%get3A_9, %get3A_10] : memref<1000x128xf32, #tpu.memory_space<vmem>>, vector<1000x128xf32>
      %get3A_12 = arith.constant 0 : index
      %get3A_13 = arith.constant 0 : index
      %get3A_14 = vector.load %arg4[%get3A_12, %get3A_13] : memref<128x128xf32, #tpu.memory_space<vmem>>, vector<128x128xf32>
      %dot_general3A = arith.constant dense<0.000000e+00> : vector<1000x128xf32>
      %dot_general3A_15 = tpu.matmul %get3A_11, %get3A_14, %dot_general3A {dimension_numbers = #tpu.dot_dimension_numbers<[1], [0], [0], [1], [0, 0, 1, 1], [], []>, transpose_lhs_hint = false} : vector<1000x128xf32>, vector<128x128xf32>, vector<1000x128xf32> -> vector<1000x128xf32>
      %get3A_16 = arith.constant 0 : index
      %get3A_17 = arith.constant 0 : index
      %get3A_18 = vector.load %arg5[%get3A_16, %get3A_17] : memref<1x128xf32, #tpu.memory_space<vmem>>, vector<1x128xf32>
      %add3A = vector.broadcast %get3A_18 : vector<1x128xf32> to vector<1000x128xf32>
      %add3A_19 = arith.addf %dot_general3A_15, %add3A : vector<1000x128xf32>
      %convert_element_type3A_20 = arith.truncf %add3A_19 : vector<1000x128xf32> to vector<1000x128xbf16>
      %dot_general3A_21 = arith.constant dense<0.000000e+00> : vector<5120x128xf32>
      %dot_general3A_22 = tpu.matmul %get3A_8, %convert_element_type3A_20, %dot_general3A_21 {dimension_numbers = #tpu.dot_dimension_numbers<[0], [0], [1], [1], [0, 1, 1, 1], [], []>, transpose_lhs_hint = true} : vector<1000x5120xbf16>, vector<1000x128xbf16>, vector<5120x128xf32> -> vector<5120x128xf32>
      %convert_element_type3A_23 = arith.extf %get3A_8 : vector<1000x5120xbf16> to vector<1000x5120xf32>
      %reduce_sum3A = arith.constant dense<0.000000e+00> : vector<5120xf32>
      %reduce_sum3A_24 = vector.multi_reduction <add>, %convert_element_type3A_23, %reduce_sum3A [0] : vector<1000x5120xf32> to vector<5120xf32>
      %broadcast_in_dim3A = vector.shape_cast %reduce_sum3A_24 : vector<5120xf32> to vector<1x5120xf32>
      %eq3A_25 = arith.constant 0 : i32
      %eq3A_26 = arith.cmpi eq, %arg1, %eq3A_25 : i32
      %convert_element_type3A_27 = arith.extui %eq3A_26 : i1 to i32
      %cond3A_28 = arith.constant 0 : i32
      %cond3A_29 = arith.cmpi ne, %convert_element_type3A_27, %cond3A_28 : i32
      scf.if %cond3A_29 {
        %swap3A = arith.constant 0 : index
        %swap3A_39 = arith.constant 0 : index
        %swap3A_40 = vector.load %arg9[%swap3A, %swap3A_39] : memref<5120x128xf32, #tpu.memory_space<vmem>>, vector<5120x128xf32>
        tpu.vector_store %arg9[%swap3A, %swap3A_39], %dot_general3A_22 {strides = array<i32>} : memref<5120x128xf32, #tpu.memory_space<vmem>>, vector<5120x128xf32>,
        %swap3A_41 = arith.constant 0 : index
        %swap3A_42 = arith.constant 0 : index
        %swap3A_43 = vector.load %arg10[%swap3A_41, %swap3A_42] : memref<1x5120xf32, #tpu.memory_space<vmem>>, vector<1x5120xf32>
        tpu.vector_store %arg10[%swap3A_41, %swap3A_42], %broadcast_in_dim3A {strides = array<i32>} : memref<1x5120xf32, #tpu.memory_space<vmem>>, vector<1x5120xf32>,
      } else {
      }
      %gt3A = arith.constant 0 : i32
      %gt3A_30 = arith.cmpi sgt, %arg1, %gt3A : i32
      %convert_element_type3A_31 = arith.extui %gt3A_30 : i1 to i32
      %cond3A_32 = arith.constant 0 : i32
      %cond3A_33 = arith.cmpi ne, %convert_element_type3A_31, %cond3A_32 : i32
      scf.if %cond3A_33 {
        %get3A_39 = arith.constant 0 : index
        %get3A_40 = arith.constant 0 : index
        %get3A_41 = vector.load %arg9[%get3A_39, %get3A_40] : memref<5120x128xf32, #tpu.memory_space<vmem>>, vector<5120x128xf32>
        %add3A_42 = arith.addf %get3A_41, %dot_general3A_22 : vector<5120x128xf32>
        %swap3A = arith.constant 0 : index
        %swap3A_43 = arith.constant 0 : index
        %swap3A_44 = vector.load %arg9[%swap3A, %swap3A_43] : memref<5120x128xf32, #tpu.memory_space<vmem>>, vector<5120x128xf32>
        tpu.vector_store %arg9[%swap3A, %swap3A_43], %add3A_42 {strides = array<i32>} : memref<5120x128xf32, #tpu.memory_space<vmem>>, vector<5120x128xf32>,
        %get3A_45 = arith.constant 0 : index
        %get3A_46 = arith.constant 0 : index
        %get3A_47 = vector.load %arg10[%get3A_45, %get3A_46] : memref<1x5120xf32, #tpu.memory_space<vmem>>, vector<1x5120xf32>
        %add3A_48 = arith.addf %get3A_47, %broadcast_in_dim3A : vector<1x5120xf32>
        %swap3A_49 = arith.constant 0 : index
        %swap3A_50 = arith.constant 0 : index
        %swap3A_51 = vector.load %arg10[%swap3A_49, %swap3A_50] : memref<1x5120xf32, #tpu.memory_space<vmem>>, vector<1x5120xf32>
        tpu.vector_store %arg10[%swap3A_49, %swap3A_50], %add3A_48 {strides = array<i32>} : memref<1x5120xf32, #tpu.memory_space<vmem>>, vector<1x5120xf32>,
      } else {
      }
      %eq3A_34 = arith.constant 9 : i32
      %eq3A_35 = arith.cmpi eq, %arg1, %eq3A_34 : i32
      %convert_element_type3A_36 = arith.extui %eq3A_35 : i1 to i32
      %cond3A_37 = arith.constant 0 : i32
      %cond3A_38 = arith.cmpi ne, %convert_element_type3A_36, %cond3A_37 : i32
      scf.if %cond3A_38 {
        %get3A_39 = arith.constant 0 : index
        %get3A_40 = arith.constant 0 : index
        %get3A_41 = vector.load %arg10[%get3A_39, %get3A_40] : memref<1x5120xf32, #tpu.memory_space<vmem>>, vector<1x5120xf32>
        %gt3A_42 = arith.constant 0.000000e+00 : f32
        %gt3A_43 = vector.broadcast %gt3A_42 : f32 to vector<1x5120xf32>
        %gt3A_44 = arith.cmpf ogt, %get3A_41, %gt3A_43 : vector<1x5120xf32>
        %div3A = arith.constant 1.000000e+00 : f32
        %div3A_45 = vector.broadcast %div3A : f32 to vector<1x5120xf32>
        %div3A_46 = arith.divf %div3A_45, %get3A_41 : vector<1x5120xf32>
        %jit3A = arith.constant 0.000000e+00 : f32
        %broadcast_in_dim3A_47 = vector.broadcast %jit3A : f32 to vector<1x5120xf32>
        %select_n3A = arith.select %gt3A_44, %div3A_46, %broadcast_in_dim3A_47 : vector<1x5120xi1>, vector<1x5120xf32>
        %transpose3A = tpu.transpose %select_n3A, [1, 0] : vector<1x5120xf32> -> vector<5120x1xf32>
        %get3A_48 = arith.constant 0 : index
        %get3A_49 = arith.constant 0 : index
        %get3A_50 = vector.load %arg9[%get3A_48, %get3A_49] : memref<5120x128xf32, #tpu.memory_space<vmem>>, vector<5120x128xf32>
        %mul3A = vector.broadcast %transpose3A : vector<5120x1xf32> to vector<5120x128xf32>
        %mul3A_51 = arith.mulf %get3A_50, %mul3A : vector<5120x128xf32>
        %max3A = arith.constant 0.000000e+00 : f32
        %max3A_52 = vector.broadcast %max3A : f32 to vector<5120x128xf32>
        %max3A_53 = arith.maximumf %mul3A_51, %max3A_52 : vector<5120x128xf32>
        %convert_element_type3A_54 = arith.truncf %max3A_53 : vector<5120x128xf32> to vector<5120x128xbf16>
        %get3A_55 = arith.constant 0 : index
        %get3A_56 = arith.constant 0 : index
        %get3A_57 = vector.load %arg6[%get3A_55, %get3A_56] : memref<128x128xf32, #tpu.memory_space<vmem>>, vector<128x128xf32>
        %convert_element_type3A_58 = arith.truncf %get3A_57 : vector<128x128xf32> to vector<128x128xbf16>
        %dot_general3A_59 = arith.constant dense<0.000000e+00> : vector<5120x128xf32>
        %dot_general3A_60 = tpu.matmul %convert_element_type3A_54, %convert_element_type3A_58, %dot_general3A_59 {dimension_numbers = #tpu.dot_dimension_numbers<[1], [0], [0], [1], [0, 0, 1, 1], [], []>, transpose_lhs_hint = false} : vector<5120x128xbf16>, vector<128x128xbf16>, vector<5120x128xf32> -> vector<5120x128xf32>
        %get3A_61 = arith.constant 0 : index
        %get3A_62 = arith.constant 0 : index
        %get3A_63 = vector.load %arg7[%get3A_61, %get3A_62] : memref<1x128xf32, #tpu.memory_space<vmem>>, vector<1x128xf32>
        %add3A_64 = vector.broadcast %get3A_63 : vector<1x128xf32> to vector<5120x128xf32>
        %add3A_65 = arith.addf %dot_general3A_60, %add3A_64 : vector<5120x128xf32>
        %convert_element_type3A_66 = arith.truncf %add3A_65 : vector<5120x128xf32> to vector<5120x128xbf16>
        %swap3A = arith.constant 0 : index
        %swap3A_67 = arith.constant 0 : index
        %swap3A_68 = vector.load %arg11[%swap3A, %swap3A_67] : memref<5120x128xbf16, #tpu.memory_space<vmem>>, vector<5120x128xbf16>
        tpu.vector_store %arg11[%swap3A, %swap3A_67], %convert_element_type3A_66 {strides = array<i32>} : memref<5120x128xbf16, #tpu.memory_space<vmem>>, vector<5120x128xbf16>,
      } else {
      }
    } else {
    }
    %eq3A_2 = arith.constant 1 : i32
    %eq3A_3 = arith.cmpi eq, %arg0, %eq3A_2 : i32
    %convert_element_type3A_4 = arith.extui %eq3A_3 : i1 to i32
    %cond3A_5 = arith.constant 0 : i32
    %cond3A_6 = arith.cmpi ne, %convert_element_type3A_4, %cond3A_5 : i32
    scf.if %cond3A_6 {
      %get3A = arith.constant 0 : index
      %get3A_7 = arith.constant 0 : index
      %get3A_8 = vector.load %arg3[%get3A, %get3A_7] : memref<1000x5120xbf16, #tpu.memory_space<vmem>>, vector<1000x5120xbf16>
      %get3A_9 = arith.constant 0 : index
      %get3A_10 = arith.constant 0 : index
      %get3A_11 = vector.load %arg11[%get3A_9, %get3A_10] : memref<5120x128xbf16, #tpu.memory_space<vmem>>, vector<5120x128xbf16>
      %dot_general3A = arith.constant dense<0.000000e+00> : vector<1000x128xf32>
      %dot_general3A_12 = tpu.matmul %get3A_8, %get3A_11, %dot_general3A {dimension_numbers = #tpu.dot_dimension_numbers<[1], [0], [0], [1], [0, 0, 1, 1], [], []>, transpose_lhs_hint = false} : vector<1000x5120xbf16>, vector<5120x128xbf16>, vector<1000x128xf32> -> vector<1000x128xf32>
      %convert_element_type3A_13 = arith.extf %get3A_8 : vector<1000x5120xbf16> to vector<1000x5120xf32>
      %reduce_sum3A = arith.constant dense<0.000000e+00> : vector<1000xf32>
      %reduce_sum3A_14 = vector.multi_reduction <add>, %convert_element_type3A_13, %reduce_sum3A [1] : vector<1000x5120xf32> to vector<1000xf32>
      %broadcast_in_dim3A = vector.shape_cast %reduce_sum3A_14 : vector<1000xf32> to vector<1000x1xf32>
      %gt3A = arith.constant 0.000000e+00 : f32
      %gt3A_15 = vector.broadcast %gt3A : f32 to vector<1000x1xf32>
      %gt3A_16 = arith.cmpf ogt, %broadcast_in_dim3A, %gt3A_15 : vector<1000x1xf32>
      %div3A = arith.constant 1.000000e+00 : f32
      %div3A_17 = vector.broadcast %div3A : f32 to vector<1000x1xf32>
      %div3A_18 = arith.divf %div3A_17, %broadcast_in_dim3A : vector<1000x1xf32>
      %jit3A = arith.constant 0.000000e+00 : f32
      %broadcast_in_dim3A_19 = vector.broadcast %jit3A : f32 to vector<1000x1xf32>
      %select_n3A = arith.select %gt3A_16, %div3A_18, %broadcast_in_dim3A_19 : vector<1000x1xi1>, vector<1000x1xf32>
      %mul3A = vector.broadcast %select_n3A : vector<1000x1xf32> to vector<1000x128xf32>
      %mul3A_20 = arith.mulf %dot_general3A_12, %mul3A : vector<1000x128xf32>
      %max3A = arith.constant 0.000000e+00 : f32
      %max3A_21 = vector.broadcast %max3A : f32 to vector<1000x128xf32>
      %max3A_22 = arith.maximumf %mul3A_20, %max3A_21 : vector<1000x128xf32>
      %swap3A = arith.constant 0 : index
      %swap3A_23 = arith.constant 0 : index
      %swap3A_24 = vector.load %arg8[%swap3A, %swap3A_23] : memref<1000x128xf32, #tpu.memory_space<vmem>>, vector<1000x128xf32>
      tpu.vector_store %arg8[%swap3A, %swap3A_23], %max3A_22 {strides = array<i32>} : memref<1000x128xf32, #tpu.memory_space<vmem>>, vector<1000x128xf32>,
    } else {
    }
    return
  }
  func.func @transform_0(%arg0: i32, %arg1: i32) -> (i32, i32) {
    %c0_i32 = arith.constant 0 : i32
    %c0_i32_0 = arith.constant 0 : i32
    return %arg1, %c0_i32 : i32, i32
  }
  func.func @transform_1(%arg0: i32, %arg1: i32) -> (i32, i32) {
    %c0_i32 = arith.constant 0 : i32
    %c0_i32_0 = arith.constant 0 : i32
    return %arg1, %c0_i32 : i32, i32
  }
  func.func @transform_2(%arg0: i32, %arg1: i32) -> (i32, i32) {
    %c0_i32 = arith.constant 0 : i32
    %c0_i32_0 = arith.constant 0 : i32
    %c0_i32_1 = arith.constant 0 : i32
    return %c0_i32, %c0_i32_0 : i32, i32
  }
  func.func @transform_3(%arg0: i32, %arg1: i32) -> (i32, i32) {
    %c0_i32 = arith.constant 0 : i32
    %c0_i32_0 = arith.constant 0 : i32
    %c0_i32_1 = arith.constant 0 : i32
    return %c0_i32, %c0_i32_0 : i32, i32
  }
  func.func @transform_4(%arg0: i32, %arg1: i32) -> (i32, i32) {
    %c0_i32 = arith.constant 0 : i32
    %c0_i32_0 = arith.constant 0 : i32
    %c0_i32_1 = arith.constant 0 : i32
    return %c0_i32, %c0_i32_0 : i32, i32
  }
  func.func @transform_5(%arg0: i32, %arg1: i32) -> (i32, i32) {
    %c0_i32 = arith.constant 0 : i32
    %c0_i32_0 = arith.constant 0 : i32
    %c0_i32_1 = arith.constant 0 : i32
    return %c0_i32, %c0_i32_0 : i32, i32
  }
  func.func @transform_6(%arg0: i32, %arg1: i32) -> (i32, i32) {
    %c0_i32 = arith.constant 0 : i32
    %c0_i32_0 = arith.constant 0 : i32
    return %arg1, %c0_i32 : i32, i32
  }
}

</mosaic_0001>

<sc_bundles>
// kernel: sparse-core-data-format-call.cloned.1.call-start
scs
called_computation_lowered:
.L_overlay_start_0:
0x0: {  	s1 =	sld [smem:$0x3FD9]  }
0x1: {  	s2 =	sld [smem:$0x3FFE];
	_ =	sdelay $0x1  }
0x2: {  	s3 =	srdreg.scid  }
0x3: {  	s0 =	sand.u32 $0x1, s3  }
0x4: {  	s17 =	sshll.u32 s0, $0xA;
	s1 =	sadd.s32 s2, s1  }
0x5: {  	s1 =	sadd.s32 s1, s17  }
0x6: {  	[smem:$0x3FC2] =	sst s1  }
0x7: {  	_ = 	snop  }
0x8: {  	(tm) =	ssettm $0x1  }
0x9: {  	s18 =	sld [smem:$0x3FFB];
	_ =	sdelay $0x3  }
0xa: {  	_ =	strace s18  }
0xb: {  	s1 =	sld [smem:$0x3FFC];
	_ =	sdelay $0x3  }
0xc: {  	_ =	strace s1  }
0xd: {  	s1 =	sld [smem:$0x3FFD];
	_ =	sdelay $0x3  }
0xe: {  	_ =	strace s1  }
0xf: {  	_ =	strace $0x8FFFFFFF  }
0x10: {  	s19 =	sld [smem:$0x3FDB];
	_ =	sdelay $0x1  }
0x11: {  	s20 =	simm.s32 $_scs_section_size  }
0x12: {  	s4 =	simm.s32 $_size__tile_overlayer_lowered;
	s5 =	simm.s32 $_tile_overlayer_lowered  }
0x13: {  	s23 =	simm.s32 $0x1BFF;
	s22 =	sshll.u32 s5, $0x1;
	s1 =	sadd.s32 s20, s19  }
0x14: {  	s6 =	simm.s32 $0x0;
	s21 =	sshll.u32 s4, $0x1;
	s4 =	sadd.s32 s22, s1  }
0x15: {  	[timem:s6], [sflag:s23] =	dma.local [hbm:s4], s21  }
0x16: {  	_ =	swait.ge [sflag:s23], s21  }
0x17: {  	s2 =	ssub.s32 $0x0, s21;
	[sflag:s23] =	ssyncset.done $0x0  }
0x18: {  	[sflag:s23] =	ssyncadd.s32 s2;
	_ =	sdelay $0x1  }
0x19: {  	s24 =	simm.s32 $0x1B8B  }
0x1a: {  	_ =	swait.ge [sflag:s24], $0x1  }
0x1b: {  	[sflag:s24] =	ssyncset.done $0x0  }
0x1c: {  	s26 =	simm.s32 $0x1B8E;
	s25 =	sld [smem:$0x3FFE];
	[sflag:s24] =	ssyncadd.s32 $0xFFFFFFFF  }
0x1d: {  	s27 =	simm.s32 $execute0_lowered;
	[smem:$0x3FD2] =	sst s26  }
0x1e: {  	s4 =	sshll.u32 s27, $0x1;
	_ =	strace $0x80000046;
	[dreg:$0x1] =	wrdreg $0xFFFFFFFF  }
0x1f: {  	s28 =	simm.s32 $_size_execute0_lowered;
	s1 =	sadd.s32 s1, s4;
	[dreg:$0x0] =	wrdreg $0x0  }
0x20: {  	s4 =	sshll.u32 s28, $0x1;
	[dreg:$0x2] =	wrdreg s1  }
0x21: {  	[dreg:$0x3] =	wrdreg s4  }
0x22: {  	[dreg:$0x4] =	wrdreg $0xC0  }
0x23: {  	_ =	task [dreg:s6], $0x5FFFF  }
0x24: {  	[dreg:$0x1] =	wrdreg $0xFFFFFFFF  }
0x25: {  	[dreg:$0x0] =	wrdreg $0x60  }
0x26: {  	[dreg:$0x2] =	wrdreg s25  }
0x27: {  	[dreg:$0x3] =	wrdreg $0x9  }
0x28: {  	_ =	task.clear_ibuf [dreg:s6], $0x4FFFF;
	_ =	strace $0x90000046  }
0x29: {  	s29 =	simm.s32 $0x9;
	_ =	strace $0x80000048  }
0x2a: {  	_ =	swait.ge [sflag:s29], $0x1  }
0x2b: {  	[sflag:s29] =	ssyncadd.s32 $0xFFFFFFFF  }
0x2c: {  	_ =	strace $0x90000048  }
0x2d: {  	_ =	sfence  }
0x2e: {  	s30 =	sld [smem:$0x0];
	_ =	sdelay $0x2  }
0x2f: {  	s31 =	sshll.u32 s3, $0xD;
	s3 =	sshrl.u32 s3, $0x2  }
0x30: {  	s2 =	sand.u32 $0x4000, s31;
	s1 =	sadd.s32 s3, s30  }
0x31: {  	s0 =	sor.u32 s2, s0;
	s1 =	sshll.u32 s1, $0x11  }
0x32: {  	s0 =	sor.u32 s1, s0  }
0x33: {  	s0 =	sadd.s32 $0x8F2B, s0  }
0x34: {  	[sflag:s0] =	ssyncadd.remote.s32 $0x1  }
0x35: {  	_ =	sfence.sel $0xFFFF  }
0x36: {  	[dreg:$0x0] =	wrdreg $0xFFFFFFFF;
	(pc) =	sbr.abs _section_cstart, $3  }
0x37: {  	[dreg:$0x1] =	wrdreg $0xFFFFFFFF  }
0x38: {  	_ =	task.clear_ibuf [dreg:s6], $0x2FFFF;
	_ =	strace $0x9FFFFFFF  }
0x39: {  	(tm) =	ssettm $0x7FFFFFFF  }
tec
execute0_lowered:
.L_overlay_start_1:
0x0: {  	(tag) =	ssettag $0x1  }
0x1: {  	s0 =	srdreg.scid;
	s1 =	stileid.u32  }
0x2: {  	s30 =	rddreg [dreg:$0x0];
	_ =	strace $0x80000047;
	s0 =	sshll.u32 s0, $0x4  }
0x3: {  	s3 =	simm.s32 $0x1;
	s31 =	simm.s32 $0x2;
	s0 =	sand.u32 $0x10, s0  }
0x4: {  	s15 =	simm.s32 $0x0;
	s14 =	simm.s32 $0x0;
	s0 =	sor.u32 s1, s0  }
0x5: {  	s9 =	simm.s32 $0x0;
	s11 =	simm.s32 $0x0;
	s2 =	sshll.u32 s0, $0x7  }
.Ltmp0:
0x6: {  	s12 =	simm.s32 $0x0;
	s0 =	ssub.s32 $0x2700, s2;
	(pc) =	sbr.rel .LBB1_1-.Ltmp0, $4  }
0x7: {  	[sflag:s3] =	ssyncpa.u1 $0x0;
	s4 =	sadd.s32 $0xE00, s30;
	s0 =	sshrl.u32 s0, $0xC  }
0x8: {  	[dreg:$0x2] =	wrdreg s4;
	s1 =	sadd.s32 $0x304600, s30;
	s0 =	smul.u32 $0x28, s0  }
0x9: {  	s13 =	simm.s32 $0x0;
	[sflag:s31] =	ssyncpa.u1 $0x0;
	[dreg:$0x3] =	wrdreg s1  }
0xa: {  	s10 =	smov.u32 s2;
	s6 =	sadd.s32 $0x28, s0;
	s7 =	sadd.s32 $0x29, s0  }
.LBB1_12:
0xb: {  	s0 =	sshrl.u32 s9, $0x3;
	s1 =	sand.u32 $0x1, s9;
	s3 =	sshll.u32 s11, $0x1  }
0xc: {  	s4 =	sshll.u32 s11, $0x3;
	s5 =	sshll.u32 s9, $0x7;
	p0 =	sgt.s32 s9, $0x2690  }
0xd: {  	s29 =	rddreg [dreg:$0x3];
	s30 =	sor.u32 $0x4000, s17;
	s0 =	smul.u32 $0xA000, s0  }
0xe: {  	s3 =	sand.u32 $0xFE, s3;
	s4 =	sand.u32 $0xFFFFFC00, s4;
	s5 =	sand.u32 $0x300, s5  }
0xf: {  	s1 =	sor.u32 s1, s3;
	s3 =	smov.u32 s9;
	s0 =	sadd.s32 s4, s0  }
0x10: {  	s1 =	sor.u32 s5, s1;
	s3 =	simm.s32 @!p0 $0x2690;
	p0 =	sgt.s32 s11, $0x1380  }
0x11: {  	s5 =	smov.u32 s11;
	s1 =	sor.u32 s0, s1;
	s0 =	smulhi.u32 $0xCCCCCCCD, s0  }
0x12: {  	s3 =	sadd.s32 s18, s3;
	s5 =	simm.s32 @!p0 $0x1380;
	s26 =	smulhi.u32 $0xCCCCCCCD, s1  }
0x13: {  	s5 =	sadd.s32 s16, s5;
	s8 =	sadd.s32 $0xFFFFD970, s3;
	s0 =	sshrl.u32 s0, $0xC  }
0x14: {  	s3 =	ssub.s32 $0x2710, s3;
	s4 =	sshrl.u32 s26, $0xC;
	s28 =	smulhi.u32 $0x68DB9, s0  }
0x15: {  	p0 =	sgt.s32 s8, $0x7F;
	s27 =	sadd.s32 $0xFFFFEC80, s5;
	s4 =	smul.u32 $0x1400, s4  }
0x16: {  	s5 =	ssub.s32 $0x1400, s5;
	p1 =	sgt.s32 s27, $0x7F;
	s8 =	smul.u32 $0x2710, s28  }
0x17: {  	s31 =	simm.s32 $0x5000;
	s3 =	simm.s32 @p0 $0x0;
	s5 =	simm.s32 @p1 $0x0  }
0x18: {  	s3 =	smul.u32 s5, s3;
	s1 =	ssub.s32 s1, s4;
	s0 =	ssub.s32 s0, s8  }
0x19: {  	s4 =	sshrl.u32 s1, $0x4;
	s1 =	sshll.u32 s1, $0x11;
	s0 =	smul.u32 $0x140, s0  }
0x1a: {  	s3 =	sshrl.u32 s3, $0x1;
	s4 =	sadd.s32 s29, s4;
	s1 =	sand.u32 $0x1C0000, s1  }
0x1b: {  	s3 =	sand.u32 $0x3FFFFFFF, s3;
	s1 =	sor.u32 $0x200, s1;
	s0 =	sadd.s32 s0, s4  }
0x1c: {  	[hbm4b:s0+s1] =	stream.strided.scatter [tilespmem:s30], [sflag:$0x2], s3, s31, s1, $0x20;
	[tilespmem:$0x8080] =	vst v63  }
.LBB1_13:
0x1d: {  	p0 =	slt.u32 s13, $0x2  }
0x1e: {  	s1 =	smov.u32 s15;
	s3 =	smov.u32 s14;
	p1 =	sgt.s32 @!p0 s15, $0x2690  }
0x1f: {  	s0 =	sshra.s32 @!p0 s15, $0x1F;
	p2 =	sgt.s32 @!p0 s14, $0x1380;
	s4 =	sshra.s32 @!p0 s14, $0x1F  }
0x20: {  	p1 =	por !p1, p0;
	s0 =	sand.u32 @!p0 s0, s15;
	p2 =	por !p2, p0  }
0x21: {  	s4 =	sand.u32 @!p0 s4, s14;
	s1 =	simm.s32 @p1 $0x2690;
	s3 =	simm.s32 @p2 $0x1380  }
0x22: {  	s0 =	ssub.s32 @!p0 s1, s0;
	s1 =	ssub.s32 @!p0 s3, s4  }
0x23: {  	s3 =	sadd.s32 @!p0 $0xFFFFD970, s0;
	s4 =	sadd.s32 @!p0 $0xFFFFEC80, s1  }
0x24: {  	s0 =	ssub.s32 @!p0 $0x2710, s0;
	p1 =	sgt.s32 @!p0 s3, $0x7F;
	p2 =	sgt.s32 @!p0 s4, $0x7F  }
0x25: {  	s1 =	ssub.s32 @!p0 $0x1400, s1;
	p1 =	por !p1, p0;
	p2 =	por !p2, p0  }
0x26: {  	s0 =	simm.s32 @!p1 $0x0;
	s1 =	simm.s32 @!p2 $0x0  }
0x27: {  	s0 =	smul.u32 @!p0 s1, s0;
	s1 =	sadd.s32 $0x1000, s10  }
0x28: {  	s5 =	smov.u32 s12;
	s4 =	sadd.s32 $0x80, s12;
	p1 =	sgt.s32 s1, $0x270F  }
0x29: {  	s5 =	smov.u32 @p1 s4  }
0x2a: {  	s1 =	smov.u32 @p1 s2;
	p1 =	sgt.s32 s5, $0x1387  }
0x2b: {  	s5 =	simm.s32 @p1 $0x0;
	p1 =	sne.s32 s13, s7  }
.Ltmp1:
0x2c: {  	s15 =	smov.u32 s9;
	s0 =	sshrl.u32 @!p0 s0, $0x1;
	(pc) =	sbr.rel @!p1 .LBB1_14-.Ltmp1, $4  }
0x2d: {  	s14 =	smov.u32 s11;
	s3 =	simm.s32 @!p0 $0x2;
	s0 =	sand.u32 @!p0 $0x3FFFFFFF, s0  }
0x2e: {  	s9 =	smov.u32 s10;
	s11 =	smov.u32 s12;
	_ =	swait.ge @!p0 [sflag:s3], s0  }
0x2f: {  	s10 =	smov.u32 s1;
	s0 =	ssub.s32 @!p0 $0x0, s0;
	[sflag:s3] =	ssyncset.done @!p0 $0x0  }
0x30: {  	s13 =	sadd.s32 $0x1, s13;
	s12 =	smov.u32 s5;
	[sflag:s3] =	ssyncadd.s32 @!p0 s0  }
.LBB1_1:
0x31: {  	p0 =	sge.u32 s13, s6  }
0x32: {  	s8 =	smov.u32 s10;
	s0 =	sshrl.u32 @!p0 s12, $0x3  }
0x33: {  	s1 =	sshll.u32 @!p0 s10, $0x3;
	s3 =	sshll.u32 @!p0 s12, $0x7;
	s0 =	smul.u32 @!p0 $0x13C00, s0  }
0x34: {  	p1 =	sgt.s32 @!p0 s12, $0x1308;
	s4 =	sshra.s32 @!p0 s12, $0x1F;
	s1 =	sand.u32 @!p0 $0xFFFFFC00, s1  }
0x35: {  	s0 =	sadd.s32 @!p0 s0, s1;
	s1 =	sand.u32 @!p0 $0x300, s3;
	s3 =	sshll.u32 @!p0 s10, $0x1  }
0x36: {  	s16 =	sshra.s32 @!p0 s10, $0x1F;
	s0 =	sor.u32 @!p0 s1, s0;
	s1 =	sand.u32 @!p0 $0xFE, s3  }
0x37: {  	p1 =	por !p1, p0;
	s3 =	sand.u32 @!p0 $0x1, s12;
	s0 =	sor.u32 @!p0 s1, s0  }
0x38: {  	s4 =	sand.u32 @!p0 s4, s12;
	s1 =	sor.u32 @!p0 s3, s0;
	s3 =	smov.u32 s12  }
0x39: {  	s5 =	smulhi.u32 @!p0 $0xCF6474A9, s1;
	s3 =	simm.s32 @p1 $0x1308;
	p1 =	sgt.s32 @!p0 s10, $0x2700  }
0x3a: {  	s0 =	smulhi.u32 @!p0 $0xCF6474A9, s0;
	s3 =	ssub.s32 @!p0 s3, s4;
	p1 =	por !p1, p0  }
0x3b: {  	s4 =	sadd.s32 @!p0 $0xFFFFECF8, s3;
	s8 =	simm.s32 @p1 $0x2700;
	s5 =	sshrl.u32 @!p0 s5, $0xD  }
0x3c: {  	s3 =	ssub.s32 @!p0 $0x1388, s3;
	p2 =	sgt.s32 @!p0 s4, $0x7F;
	s4 =	sand.u32 @!p0 s16, s10  }
0x3d: {  	s5 =	smul.u32 @!p0 $0x2780, s5;
	s4 =	ssub.s32 @!p0 s8, s4;
	p1 =	por !p2, p0  }
0x3e: {  	s0 =	sshrl.u32 @!p0 s0, $0xD;
	s8 =	sadd.s32 @!p0 $0xFFFFD900, s4;
	s3 =	simm.s32 @!p1 $0x0  }
0x3f: {  	s1 =	ssub.s32 @!p0 s1, s5;
	p1 =	sgt.s32 @!p0 s8, $0x7F;
	s8 =	smulhi.u32 @!p0 $0xD1B72, s0  }
0x40: {  	s4 =	ssub.s32 @!p0 $0x2780, s4;
	s5 =	sshrl.u32 @!p0 s1, $0x4;
	s1 =	sshll.u32 @!p0 s1, $0x11  }
0x41: {  	p1 =	por !p1, p0;
	s1 =	sand.u32 @!p0 $0x1C0000, s1;
	s8 =	smul.u32 @!p0 $0x1388, s8  }
0x42: {  	s4 =	simm.s32 @!p1 $0x0;
	s1 =	sor.u32 @!p0 $0x200, s1  }
0x43: {  	s3 =	smul.u32 @!p0 s3, s4;
	s4 =	sxor.u32 @!p0 $0xFFFFFFFF, s13;
	s0 =	ssub.s32 @!p0 s0, s8  }
0x44: {  	s8 =	rddreg [dreg:$0x2];
	s4 =	sshll.u32 @!p0 s4, $0xD;
	s0 =	smul.u32 @!p0 $0x278, s0  }
0x45: {  	s3 =	sshrl.u32 @!p0 s3, $0x1;
	s5 =	sadd.s32 @!p0 s8, s5;
	s4 =	sand.u32 @!p0 $0x2000, s4  }
0x46: {  	s3 =	sand.u32 @!p0 $0x3FFFFFFF, s3;
	s0 =	sadd.s32 @!p0 s0, s5;
	s5 =	simm.s32 @!p0 $0x9E00  }
0x47: {  	[tilespmem:s4], [sflag:$0x1] =	stream.strided.gather @!p0 [hbm4b:s0+s1], s3, s5, s1, $0x38;
	[tilespmem:$0x8080] =	vst v63  }
0x48: {  	p0 =	seq.s32 s13, $0x0  }
0x49: {  	p1 =	sge.u32 @!p0 s13, s7  }
0x4a: {  	p0 =	por p0, p1  }
.Ltmp2:
0x4b: {  	_ = 	snop;
	(pc) =	sbr.rel @p0 .LBB1_13-.Ltmp2, $1  }
0x4c: {  	_ =	sdelay $0x3  }
0x4d: {  	s0 =	ssub.s32 $0x0, s11;
	s1 =	sshra.s32 s11, $0x1F  }
0x4e: {  	p0 =	sgt.s32 s11, $0x1308;
	s3 =	smov.u32 s11;
	s26 =	ssub.s32 $0x0, s9  }
0x4f: {  	s27 =	sshra.s32 s9, $0x1F;
	s16 =	sand.u32 s0, s1;
	s3 =	simm.s32 @!p0 $0x1308  }
0x50: {  	s4 =	smov.u32 s9;
	p0 =	sgt.s32 s9, $0x2700;
	s3 =	sadd.s32 s16, s3  }
0x51: {  	s18 =	sand.u32 s26, s27;
	s4 =	simm.s32 @!p0 $0x2700;
	s28 =	sadd.s32 $0xFFFFECF8, s3  }
0x52: {  	s1 =	sadd.s32 s18, s4;
	s3 =	ssub.s32 $0x1388, s3;
	p0 =	sgt.s32 s28, $0x7F  }
0x53: {  	s29 =	sadd.s32 $0xFFFFD900, s1;
	s0 =	ssub.s32 $0x2780, s1;
	s1 =	sadd.s32 $0x80, s11  }
0x54: {  	p1 =	sgt.s32 s29, $0x7F;
	s3 =	simm.s32 @p0 $0x0;
	p0 =	slt.s32 s1, $0x1388  }
0x55: {  	s0 =	simm.s32 @p1 $0x0;
	s1 =	simm.s32 @!p0 $0x1388  }
0x56: {  	s0 =	smul.u32 s3, s0;
	s19 =	ssub.s32 s1, s11  }
0x57: {  	p0 =	slt.s32 s19, $0x1  }
.Ltmp3:
0x58: {  	s3 =	sshrl.u32 s0, $0x1;
	(pc) =	sbr.rel @p0 .LBB1_12-.Ltmp3, $4  }
0x59: {  	s5 =	simm.s32 $0x1;
	s0 =	sand.u32 $0x1, s13;
	s3 =	sand.u32 $0x3FFFFFFF, s3  }
0x5a: {  	s30 =	smul.u32 $0x4080, s0;
	_ =	swait.ge [sflag:s5], s3  }
0x5b: {  	s31 =	ssub.s32 $0x0, s3;
	[sflag:s5] =	ssyncset.done $0x0  }
0x5c: {  	s17 =	sshrl.u32 s30, $0x1;
	[sflag:s5] =	ssyncadd.s32 s31  }
0x5d: {  	s1 =	sadd.s32 $0x80, s9  }
0x5e: {  	p0 =	slt.s32 s1, $0x2710  }
.Ltmp4:
0x5f: {  	s1 =	simm.s32 @!p0 $0x2710;
	(pc) =	sbr.rel .LBB1_4-.Ltmp4, $4  }
0x60: {  	s1 =	ssub.s32 s1, s9  }
0x61: {  	s22 =	sshll.u32 s0, $0xD;
	s3 =	sadd.s32 $0xF, s1;
	s1 =	sadd.s32 $0x1F, s1  }
0x62: {  	s23 =	sor.u32 $0x4000, s17;
	s20 =	sand.u32 $0xFFFFFFF0, s3;
	s21 =	sand.u32 $0xFFFFFF00, s1  }
0x63: {  	s24 =	simm.s32 $0x0;
	p0 =	slt.s32 s1, $0x100;
	p1 =	sge.s32 s21, s20  }
.LBB1_11:
0x64: {  	s24 =	sadd.s32 $0x2, s24  }
0x65: {  	p2 =	slt.s32 s24, s19  }
.Ltmp5:
0x66: {  	_ = 	snop;
	(pc) =	sbr.rel @!p2 .LBB1_12-.Ltmp5, $1  }
0x67: {  	_ =	sdelay $0x3  }
.LBB1_4:
.Ltmp6:
0x68: {  	(pc) =	sbr.rel @p0 .LBB1_8-.Ltmp6, $2  }
0x69: {  	_ =	sdelay $0x2  }
0x6a: {  	s26 =	sand.u32 $0x7E, s24;
	s25 =	sshll.u32 s24, $0x6  }
0x6b: {  	s3 =	sand.u32 $0x1F80, s25  }
0x6c: {  	s8 =	sadd.s32 s3, s22  }
0x6d: {  	v0 =	vld [tilespmem:s8+$0x60]  }
0x6e: {  	v1 =	vld [tilespmem:s8+$0x70]  }
0x6f: {  	s4 =	sshll.u32 s26, $0x6;
	v2 =	vld [tilespmem:s8+$0x40]  }
0x70: {  	s5 =	sadd.s32 s4, s22;
	v3 =	vld [tilespmem:s8+$0x50]  }
0x71: {  	v4 =	vld [tilespmem:s5+$0x30]  }
0x72: {  	v5 =	vld [tilespmem:s8+$0x20]  }
0x73: {  	v6 =	vld [tilespmem:s8+$0x30]  }
0x74: {  	s0 =	sand.u32 $0x3E, s24;
	v7 =	vld [tilespmem:s5+$0x10];
	v1 =	vperm.xlane.i2c.b16 v1;
	v8 =	vperm.xlane.i2c.b16 v0  }
0x75: {  	s1 =	sand.u32 $0x40, s24;
	s0 =	sadd.s32 s0, s23;
	v9 =	vld [tilespmem:s8+$0x0];
	v10 =	vperm.xlane.i2c.b16 v3;
	v2 =	vperm.xlane.i2c.b16 v2  }
0x76: {  	s27 =	sadd.s32 s1, s0;
	v11 =	vld [tilespmem:s8+$0x10];
	v0 =	vcombine.low v8, v1  }
0x77: {  	p2 =	sgt.s32 s21, $0x100;
	s1 =	sadd.s32 $0x1830, s27;
	v3 =	vperm.xlane.i2c.b16 v5;
	v12 =	vcombine.low v2, v10  }
.Ltmp7:
0x78: {  	s3 =	sadd.s32 $0x1020, s27;
	v13 =	vperm.xlane.i2c.b16 v6;
	v4 =	vperm.xlane.i2c.b16 v4;
	[tilespmem:s1+$0x0 ss:$0x81] =	vst.msk $0xffff, v0;
	(pc) =	sbr.rel @!p2 .LBB1_7-.Ltmp7, $4  }
0x79: {  	v6 =	vperm.xlane.i2c.b16 v7;
	v1 =	vcombine.high v8, v1;
	[tilespmem:s3+$0x0 ss:$0x81] =	vst.msk $0xffff, v12  }
0x7a: {  	s0 =	sadd.s32 $0x1831, s27;
	v7 =	vperm.xlane.i2c.b16 v9;
	v2 =	vcombine.high v2, v10;
	[tilespmem:s3+$0x0 ss:$0x81] =	vst.msk $0xffff, v12  }
0x7b: {  	s4 =	simm.s32 $0x100;
	s31 =	sadd.s32 $0x1021, s27;
	v9 =	vperm.xlane.i2c.b16 v11;
	v8 =	vcombine.low v3, v13;
	[tilespmem:s0+$0x0 ss:$0x81] =	vst.msk $0xffff, v1  }
0x7c: {  	s28 =	sadd.s32 $0x1, s27;
	s29 =	sadd.s32 $0x810, s27;
	s30 =	sadd.s32 $0x811, s27;
	v5 =	vcombine.low v3, v4;
	v10 =	vcombine.high v3, v13;
	[tilespmem:s31+$0x0 ss:$0x81] =	vst.msk $0xffff, v2  }
.LBB1_6:
0x7d: {  	v11 =	vld [tilespmem:s8+$0x60];
	v12 =	vcombine.low v7, v6;
	v13 =	vcombine.low v7, v9;
	[tilespmem:s29+$0x0 ss:$0x81] =	vst.msk $0xffff, v8  }
0x7e: {  	v6 =	vcombine.high v7, v6;
	v7 =	vcombine.high v7, v9;
	v8 =	vld [tilespmem:s8+$0x70];
	[tilespmem:s30+$0x0 ss:$0x81] =	vst.msk $0xffff, v10  }
0x7f: {  	v3 =	vcombine.high v3, v4;
	v9 =	vld [tilespmem:s8+$0x40];
	[tilespmem:s27+$0x0 ss:$0x81] =	vst.msk $0xffff, v13  }
0x80: {  	v4 =	vld [tilespmem:s8+$0x50];
	[tilespmem:s28+$0x0 ss:$0x81] =	vst.msk $0xffff, v7  }
0x81: {  	v7 =	vld [tilespmem:s5+$0x30];
	[tilespmem:s27+$0x0 ss:$0x81] =	vst.msk $0xffff, v12  }
0x82: {  	v10 =	vld [tilespmem:s8+$0x20];
	[tilespmem:s28+$0x0 ss:$0x81] =	vst.msk $0xffff, v6  }
0x83: {  	v6 =	vld [tilespmem:s8+$0x30];
	[tilespmem:s29+$0x0 ss:$0x81] =	vst.msk $0xffff, v5  }
0x84: {  	v11 =	vperm.xlane.i2c.b16 v11;
	v8 =	vperm.xlane.i2c.b16 v8;
	v5 =	vld [tilespmem:s5+$0x10];
	[tilespmem:s30+$0x0 ss:$0x81] =	vst.msk $0xffff, v3  }
0x85: {  	v9 =	vperm.xlane.i2c.b16 v9;
	v12 =	vld [tilespmem:s8+$0x0];
	v13 =	vperm.xlane.i2c.b16 v4;
	[tilespmem:s31+$0x0 ss:$0x81] =	vst.msk $0xffff, v2  }
0x86: {  	s4 =	sadd.s32 $0x100, s4;
	v14 =	vld [tilespmem:s8+$0x10];
	[tilespmem:s1+$0x0 ss:$0x81] =	vst.msk $0xffff, v0;
	v0 =	vcombine.low v11, v8  }
0x87: {  	p2 =	slt.s32 s4, s21;
	v15 =	vcombine.low v9, v13;
	[tilespmem:s0+$0x0 ss:$0x81] =	vst.msk $0xffff, v1;
	v1 =	vcombine.high v11, v8  }
.Ltmp8:
0x88: {  	v3 =	vperm.xlane.i2c.b16 v10;
	v10 =	vperm.xlane.i2c.b16 v6;
	[tilespmem:s1+$0x0 ss:$0x81] =	vst.msk $0xffff, v0;
	(pc) =	sbr.rel @p2 .LBB1_6-.Ltmp8, $4  }
0x89: {  	v4 =	vperm.xlane.i2c.b16 v7;
	v2 =	vcombine.high v9, v13;
	[tilespmem:s3+$0x0 ss:$0x81] =	vst.msk $0xffff, v15  }
0x8a: {  	v6 =	vperm.xlane.i2c.b16 v5;
	v8 =	vcombine.low v3, v10;
	[tilespmem:s0+$0x0 ss:$0x81] =	vst.msk $0xffff, v1  }
0x8b: {  	v7 =	vperm.xlane.i2c.b16 v12;
	v9 =	vperm.xlane.i2c.b16 v14;
	[tilespmem:s3+$0x0 ss:$0x81] =	vst.msk $0xffff, v15  }
0x8c: {  	v5 =	vcombine.low v3, v4;
	v10 =	vcombine.high v3, v10;
	[tilespmem:s31+$0x0 ss:$0x81] =	vst.msk $0xffff, v2  }
.LBB1_7:
0x8d: {  	[tilespmem:s29+$0x0 ss:$0x81] =	vst.msk $0xffff, v8  }
0x8e: {  	[tilespmem:s31+$0x0 ss:$0x81] =	vst.msk $0xffff, v2  }
0x8f: {  	[tilespmem:s1+$0x0 ss:$0x81] =	vst.msk $0xffff, v0  }
0x90: {  	[tilespmem:s30+$0x0 ss:$0x81] =	vst.msk $0xffff, v10  }
0x91: {  	v11 =	vcombine.low v7, v9;
	[tilespmem:s29+$0x0 ss:$0x81] =	vst.msk $0xffff, v5  }
0x92: {  	v62 =	vcombine.low v7, v6;
	[tilespmem:s0+$0x0 ss:$0x81] =	vst.msk $0xffff, v1  }
0x93: {  	v3 =	vcombine.high v3, v4;
	[tilespmem:s27+$0x0 ss:$0x81] =	vst.msk $0xffff, v11  }
0x94: {  	v61 =	vcombine.high v7, v9;
	[tilespmem:s27+$0x0 ss:$0x81] =	vst.msk $0xffff, v62  }
0x95: {  	v63 =	vcombine.high v7, v6;
	[tilespmem:s30+$0x0 ss:$0x81] =	vst.msk $0xffff, v3  }
0x96: {  	[tilespmem:s28+$0x0 ss:$0x81] =	vst.msk $0xffff, v61  }
0x97: {  	[tilespmem:s28+$0x0 ss:$0x81] =	vst.msk $0xffff, v63  }
.LBB1_8:
.Ltmp9:
0x98: {  	(pc) =	sbr.rel @p1 .LBB1_11-.Ltmp9, $1  }
0x99: {  	_ =	sdelay $0x3  }
0x9a: {  	s0 =	sand.u32 $0x3E, s24;
	s3 =	sshll.u32 s26, $0x8  }
0x9b: {  	s4 =	sand.u32 $0x40, s24;
	s1 =	sadd.s32 s0, s23;
	s0 =	sand.u32 $0x1F80, s25  }
0x9c: {  	s3 =	sshrl.u32 s3, $0x2;
	s1 =	sadd.s32 s4, s1;
	s4 =	smov.u32 s21  }
.LBB1_10:
0x9d: {  	s5 =	sand.u32 $0x40, s4  }
0x9e: {  	s5 =	sadd.s32 s5, s22  }
0x9f: {  	s8 =	sand.u32 $0x20, s4;
	s25 =	sadd.s32 s0, s5  }
0xa0: {  	s5 =	sadd.s32 s3, s5;
	s25 =	sadd.s32 s8, s25  }
0xa1: {  	s5 =	sadd.s32 s8, s5;
	v0 =	vld [tilespmem:s25+$0x0]  }
0xa2: {  	v1 =	vld [tilespmem:s5+$0x10];
	_ =	sdelay $0x3  }
0xa3: {  	s31 =	sand.u32 $0x60, s4;
	s4 =	sadd.s32 $0x20, s4  }
0xa4: {  	p2 =	slt.s32 s4, s20;
	s5 =	smul.u32 $0x102, s31;
	v1 =	vperm.xlane.i2c.b16 v1;
	v0 =	vperm.xlane.i2c.b16 v0  }
.Ltmp10:
0xa5: {  	_ = 	snop;
	(pc) =	sbr.rel @p2 .LBB1_10-.Ltmp10, $4  }
0xa6: {  	s5 =	sshrl.u32 s5, $0x2;
	v2 =	vcombine.low v0, v1  }
0xa7: {  	s5 =	sadd.s32 s5, s1;
	v0 =	vcombine.high v0, v1  }
0xa8: {  	[tilespmem:s5+$0x0 ss:$0x81] =	vst.msk $0xffff, v2  }
0xa9: {  	[tilespmem:s5+$0x1 ss:$0x81] =	vst.msk $0xffff, v0  }
.Ltmp11:
0xaa: {  	_ = 	snop;
	(pc) =	sbr.rel .LBB1_11-.Ltmp11, $1  }
0xab: {  	_ =	sdelay $0x3  }
.LBB1_14:
0xac: {  	_ =	sfence.sel $0x180000  }
0xad: {  	s0 =	simm.s32 $0x1;
	[bflag:$0x0] =	sbarrier.arrive $0xFFFF  }
0xae: {  	s30 =	simm.s32 $0x2;
	[sflag:s0] =	ssyncpa.u1 $0x1  }
0xaf: {  	[sflag:s30] =	ssyncpa.u1 $0x1  }
0xb0: {  	_ =	strace $0x90000047  }
0xb1: {  	s31 =	stileid.u32;
	[bflag:$0x2] =	sbarrier.arrive $0xFFFF  }
0xb2: {  	p0 =	sne.s32 s31, $0x0;
	s0 =	rddreg [dreg:$0x1]  }
0xb3: {  	s0 =	sadd.s32 @!p0 $0x100000, s0  }
0xb4: {  	[sflag:s0] =	ssyncadd.tile.s32 @!p0 $0x1;
	_ =	shalt  }
.Lfunc_end1:
_tile_overlayer_lowered:
.L_overlay_start_2:
0xb5: {  	(tag) =	ssettag $0x2  }
0xb6: {  	s0 =	rddreg [dreg:$0x0];
	s2 =	stileid.u32  }
0xb7: {  	s1 =	rddreg [dreg:$0x1];
	p0 =	sne.s32 s2, $0x0  }
0xb8: {  	s3 =	rddreg [dreg:$0x2];
	[bflag:$0x3] =	sbarrier.arrive $0xFFFF;
	s2 =	simm.s32 @!p0 $0x1C01  }
0xb9: {  	[timem:s3], [sflag:s2] =	dma.local @!p0 [hbm:s0], s1  }
0xba: {  	s0 =	simm.s32 @!p0 $0x1  }
0xbb: {  	_ =	swait.ge @!p0 [sflag:s0], s1  }
0xbc: {  	s1 =	ssub.s32 @!p0 $0x0, s1;
	[sflag:s0] =	ssyncset.done @!p0 $0x0  }
0xbd: {  	[sflag:s0] =	ssyncadd.s32 @!p0 s1  }
0xbe: {  	[bflag:$0x3] =	sbarrier.arrive $0xFFFF  }
0xbf: {  	_ =	shalt  }

</sc_bundles>
